<compile_context>
chip_gen: v7x
topology: tpu7x:2x2x1
jax: 0.10.2.dev20260603
libtpu: 0.0.44.dev20260713+nightly
codegen_flags: <defaults>
</compile_context>

<pallas_src>
import functools

import jax
import jax.numpy as jnp
from jax import lax
from jax.experimental import pallas as pl
from jax.experimental.pallas import tpu as pltpu
from jax.experimental.pallas import tpu_sc as plsc

_NC, _NS = 2, 16
_NW = _NC * _NS
_D = 1024
_CB = 32
_CHUNK = 512
_N_SC = 8192


def _sc_part(xf, tz, n_sc):
    bpw = n_sc // _NW
    chunks = bpw // _CB
    nv = 3
    trep = jnp.tile(tz[None], (_NW, 1, 1)).reshape(_NW * nv, _D)
    xadj = xf[:n_sc] + nv * (jnp.arange(n_sc, dtype=jnp.int32) // bpw)

    mesh = plsc.VectorSubcoreMesh(core_axis_name="c", subcore_axis_name="s")

    @functools.partial(
        pl.kernel,
        out_type=jax.ShapeDtypeStruct((n_sc, _D), jnp.float32),
        mesh=mesh,
        scratch_types=[
            pltpu.VMEM((bpw,), jnp.int32),
            pltpu.VMEM((_CB, _D), jnp.float32),
            pltpu.VMEM((_CB, _D), jnp.float32),
            pltpu.SemaphoreType.DMA,
            pltpu.SemaphoreType.DMA,
            pltpu.SemaphoreType.DMA,
            pltpu.SemaphoreType.DMA,
        ],
    )
    def sc_emb(x_hbm, t_hbm, out_hbm, idx_v, buf0, buf1, gs0, gs1, ps0, ps1):
        wid = lax.axis_index("s") * _NC + lax.axis_index("c")
        base = wid * bpw
        pltpu.sync_copy(x_hbm.at[pl.ds(base, bpw)], idx_v)
        bufs = (buf0, buf1)
        gsems = (gs0, gs1)
        psems = (ps0, ps1)

        def start_gather(c, k):
            pltpu.async_copy(t_hbm.at[idx_v.at[pl.ds(c * _CB, _CB)]],
                             bufs[k], gsems[k])

        def wait_gather(k):
            pltpu.make_async_copy(t_hbm.at[idx_v.at[pl.ds(0, _CB)]],
                                  bufs[k], gsems[k]).wait()

        def start_put(c, k):
            pltpu.async_copy(bufs[k], out_hbm.at[pl.ds(base + c * _CB, _CB)],
                             psems[k])

        def wait_put(k):
            pltpu.make_async_copy(bufs[k], out_hbm.at[pl.ds(base, _CB)],
                                  psems[k]).wait()

        start_gather(0, 0)

        @pl.loop(0, chunks, step=2)
        def pair(g):
            wait_gather(0)

            @pl.when(g > 0)
            def _():
                wait_put(1)

            start_gather(g + 1, 1)
            start_put(g, 0)
            wait_gather(1)
            wait_put(0)

            @pl.when(g < chunks - 2)
            def _():
                start_gather(g + 2, 0)

            start_put(g + 1, 1)

        wait_put(1)

    return sc_emb(xadj, trep)


def _tc_body(x_ref, t_ref, o_ref):
    xc = x_ref[0, 0, :][:, None]
    r1 = t_ref[1, :][None, :]
    r2 = t_ref[2, :][None, :]
    w1 = (xc == 1).astype(jnp.float32)
    w2 = (xc == 2).astype(jnp.float32)
    o_ref[...] = w1 * r1 + w2 * r2


def _tc_part(xs, table, n_tc):
    grid = n_tc // _CHUNK
    x_r = xs.reshape(grid, 1, _CHUNK)
    return pl.pallas_call(
        _tc_body,
        grid=(grid,),
        in_specs=[
            pl.BlockSpec((1, 1, _CHUNK), lambda i: (i, 0, 0)),
            pl.BlockSpec((3, _D), lambda i: (0, 0)),
        ],
        out_specs=pl.BlockSpec((_CHUNK, _D), lambda i: (i, 0)),
        out_shape=jax.ShapeDtypeStruct((n_tc, _D), jnp.float32),
    )(x_r, table)


def kernel(x, table):
    b, s = x.shape
    n = b * s
    xf = x.reshape(n).astype(jnp.int32)
    tz = table.at[0].set(0.0)
    o_sc = _sc_part(xf, tz, _N_SC)
    n_tc = n - _N_SC
    o_tc1 = _tc_part(xf[_N_SC:_N_SC + n_tc // 4], table, n_tc // 4)
    o_tc2 = _tc_part(xf[_N_SC + n_tc // 4:], table, n_tc - n_tc // 4)
    return (o_sc, o_tc1, o_tc2)

# --- scband reference (transcript-rebuilt; emitter-appended) ---
"""Pipeline reference for scband-segment-embedding-19524921328245 (READ-ONLY COPY).

The authoritative reference and input builder live on the scoring server;
editing this copy changes nothing except your own understanding.
"""

import jax, jax.numpy as jnp
import numpy as np

HIDDEN_DIM = 1024
PAD_TOKEN_ID = 0
NUM_EMB = 3
BATCH = 4
SEQ = 8192

def setup_inputs(seed: int = 0) -> dict:
    key = jax.random.key(seed)
    k1, k2 = jax.random.split(key)
    x = jax.random.randint(k1, (BATCH, SEQ), 0, NUM_EMB, dtype=jnp.int64 if jax.config.jax_enable_x64 else jnp.int32)
    table = jax.random.normal(k2, (NUM_EMB, HIDDEN_DIM), dtype=jnp.float32)
    # torch nn.Embedding with padding_idx initializes the padding row to zeros
    table = table.at[PAD_TOKEN_ID].set(0.0)
    return {"x": x, "table": table}

def reference(x, table):
    # Faithful to nn.Embedding(3, hidden_dim, padding_idx=pad_token_id):
    # the padding row contributes zeros (and receives no gradient).
    mask = (jnp.arange(NUM_EMB) != PAD_TOKEN_ID).astype(table.dtype)[:, None]
    emb = table * mask
    out = jnp.take(emb, x, axis=0)
    return out

if __name__ == "__main__":
    import jax
    _d = setup_inputs()
    print(jax.jit(kernel)(*tuple(_d.values())))

</pallas_src>

<mosaic_0001>
#map = affine_map<(d0, d1) -> (0)>
#map1 = affine_map<(d0, d1) -> (0, 0)>
module attributes {stable_mosaic.version = 14 : i64} {
  func.func @sc_emb(%arg0: i32, %arg1: i32, %arg2: memref<8192xi32, #tpu.memory_space<hbm>>, %arg3: memref<96x1024xf32, #tpu.memory_space<hbm>>, %arg4: memref<8192x1024xf32, #tpu.memory_space<hbm>>, %arg5: memref<256xi32, #tpu.memory_space<vmem>>, %arg6: memref<32x1024xf32, #tpu.memory_space<vmem>>, %arg7: memref<32x1024xf32, #tpu.memory_space<vmem>>, %arg8: memref<!tpu.dma_semaphore, #tpu.memory_space<semaphore_mem>>, %arg9: memref<!tpu.dma_semaphore, #tpu.memory_space<semaphore_mem>>, %arg10: memref<!tpu.dma_semaphore, #tpu.memory_space<semaphore_mem>>, %arg11: memref<!tpu.dma_semaphore, #tpu.memory_space<semaphore_mem>>) attributes {dimension_semantics = [#tpu.dimension_semantics<core_parallel>, #tpu.dimension_semantics<subcore_parallel>], iteration_bounds = array<i64: 2, 16>, scalar_prefetch = 0 : i64, scratch_operands = 7 : i64, tpu.core_type = #tpu.core_type<sc_vector_subcore>, window_params = [{transform_indices = #map}, {transform_indices = #map1}, {transform_indices = #map1}]} {
    %mul3A = arith.constant 2 : i32
    %mul3A_0 = arith.muli %arg1, %mul3A : i32
    %add3A = arith.addi %mul3A_0, %arg0 : i32
    %mul3A_1 = arith.constant 256 : i32
    %mul3A_2 = arith.muli %add3A, %mul3A_1 : i32
    "tpu.region"() ({
      %run_scoped3A = tpu.sem_alloc : memref<!tpu.dma_semaphore, #tpu.memory_space<semaphore_mem>>
      %dma_start3A_14 = tpu.memref_slice %arg2[%mul3A_2] : memref<8192xi32, #tpu.memory_space<hbm>> -> memref<256xi32, #tpu.memory_space<hbm>>
      %dma_start3A_15 = tpu.memref_slice %arg2[%mul3A_2] : memref<8192xi32, #tpu.memory_space<hbm>> -> memref<256xi32, #tpu.memory_space<hbm>>
      tpu.enqueue_dma source(%dma_start3A_15 : memref<256xi32, #tpu.memory_space<hbm>>) target(%arg5 : memref<256xi32, #tpu.memory_space<vmem>>) target_semaphore(%run_scoped3A : memref<!tpu.dma_semaphore, #tpu.memory_space<semaphore_mem>>)
      %dma_wait3A_16 = tpu.memref_slice %arg2[%mul3A_2] : memref<8192xi32, #tpu.memory_space<hbm>> -> memref<256xi32, #tpu.memory_space<hbm>>
      %dma_wait3A_17 = tpu.memref_slice %arg2[%mul3A_2] : memref<8192xi32, #tpu.memory_space<hbm>> -> memref<256xi32, #tpu.memory_space<hbm>>
      tpu.wait_dma2 semaphore(%run_scoped3A : memref<!tpu.dma_semaphore, #tpu.memory_space<semaphore_mem>>) src(%dma_wait3A_17 : memref<256xi32, #tpu.memory_space<hbm>>) dst(%arg5 : memref<256xi32, #tpu.memory_space<vmem>>)
      tpu.yield
    }) : () -> ()
    %dma_start3A = arith.constant 0 : i32
    %dma_start3A_3 = tpu.memref_slice %arg5[%dma_start3A] : memref<256xi32, #tpu.memory_space<vmem>> -> memref<32xi32, #tpu.memory_space<vmem>>
    %dma_start3A_4 = arith.constant 0 : i32
    %dma_start3A_5 = arith.constant 0 : i32
    %dma_start3A_6 = tpu.memref_slice %arg3[%dma_start3A_4, %dma_start3A_5] : memref<96x1024xf32, #tpu.memory_space<hbm>> -> memref<96x1024xf32, #tpu.memory_space<hbm>>
    tpu.enqueue_indirect_dma source(%dma_start3A_6 : memref<96x1024xf32, #tpu.memory_space<hbm>>) target(%arg6 : memref<32x1024xf32, #tpu.memory_space<vmem>>) offsets(%dma_start3A_3 : memref<32xi32, #tpu.memory_space<vmem>>) semaphore(%arg8 : memref<!tpu.dma_semaphore, #tpu.memory_space<semaphore_mem>>)
    %scan3A = arith.constant 0 : i32
    %scan3A_7 = arith.constant 4 : i32
    %scan3A_8 = arith.addi %scan3A, %scan3A_7 : i32
    %scan3A_9 = arith.constant 1 : i32
    scf.for %scan3A_14 = %scan3A to %scan3A_8 step %scan3A_9  : i32 {
      %mul3A_15 = arith.constant 2 : i32
      %mul3A_16 = arith.muli %scan3A_14, %mul3A_15 : i32
      %add3A_17 = arith.constant 0 : i32
      %add3A_18 = arith.addi %add3A_17, %mul3A_16 : i32
      %dma_wait3A_19 = arith.constant 0 : i32
      %dma_wait3A_20 = tpu.memref_slice %arg5[%dma_wait3A_19] : memref<256xi32, #tpu.memory_space<vmem>> -> memref<32xi32, #tpu.memory_space<vmem>>
      %dma_wait3A_21 = arith.constant 0 : i32
      %dma_wait3A_22 = arith.constant 0 : i32
      %dma_wait3A_23 = tpu.memref_slice %arg3[%dma_wait3A_21, %dma_wait3A_22] : memref<96x1024xf32, #tpu.memory_space<hbm>> -> memref<96x1024xf32, #tpu.memory_space<hbm>>
      tpu.wait_indirect_dma semaphore(%arg8 : memref<!tpu.dma_semaphore, #tpu.memory_space<semaphore_mem>>) src(%dma_wait3A_23 : memref<96x1024xf32, #tpu.memory_space<hbm>>) dst(%arg6 : memref<32x1024xf32, #tpu.memory_space<vmem>>)
      %gt3A = arith.constant 0 : i32
      %gt3A_24 = arith.cmpi sgt, %add3A_18, %gt3A : i32
      %convert_element_type3A = arith.extui %gt3A_24 : i1 to i32
      %cond3A = arith.constant 0 : i32
      %cond3A_25 = arith.cmpi ne, %convert_element_type3A, %cond3A : i32
      scf.if %cond3A_25 {
        %dma_wait3A_63 = arith.constant 0 : i32
        %dma_wait3A_64 = tpu.memref_slice %arg4[%mul3A_2, %dma_wait3A_63] : memref<8192x1024xf32, #tpu.memory_space<hbm>> -> memref<32x1024xf32, #tpu.memory_space<hbm>>
        %dma_wait3A_65 = arith.constant 0 : i32
        %dma_wait3A_66 = tpu.memref_slice %arg4[%mul3A_2, %dma_wait3A_65] : memref<8192x1024xf32, #tpu.memory_space<hbm>> -> memref<32x1024xf32, #tpu.memory_space<hbm>>
        tpu.wait_dma2 semaphore(%arg11 : memref<!tpu.dma_semaphore, #tpu.memory_space<semaphore_mem>>) src(%arg7 : memref<32x1024xf32, #tpu.memory_space<vmem>>) dst(%dma_wait3A_66 : memref<32x1024xf32, #tpu.memory_space<hbm>>)
      } else {
      }
      %add3A_26 = arith.constant 1 : i32
      %add3A_27 = arith.addi %add3A_18, %add3A_26 : i32
      %mul3A_28 = arith.constant 32 : i32
      %mul3A_29 = arith.muli %add3A_27, %mul3A_28 : i32
      %dma_start3A_30 = tpu.memref_slice %arg5[%mul3A_29] : memref<256xi32, #tpu.memory_space<vmem>> -> memref<32xi32, #tpu.memory_space<vmem>>
      %dma_start3A_31 = arith.constant 0 : i32
      %dma_start3A_32 = arith.constant 0 : i32
      %dma_start3A_33 = tpu.memref_slice %arg3[%dma_start3A_31, %dma_start3A_32] : memref<96x1024xf32, #tpu.memory_space<hbm>> -> memref<96x1024xf32, #tpu.memory_space<hbm>>
      tpu.enqueue_indirect_dma source(%dma_start3A_33 : memref<96x1024xf32, #tpu.memory_space<hbm>>) target(%arg7 : memref<32x1024xf32, #tpu.memory_space<vmem>>) offsets(%dma_start3A_30 : memref<32xi32, #tpu.memory_space<vmem>>) semaphore(%arg9 : memref<!tpu.dma_semaphore, #tpu.memory_space<semaphore_mem>>)
      %mul3A_34 = arith.constant 32 : i32
      %mul3A_35 = arith.muli %add3A_18, %mul3A_34 : i32
      %add3A_36 = arith.addi %mul3A_2, %mul3A_35 : i32
      %dma_start3A_37 = arith.constant 0 : i32
      %dma_start3A_38 = tpu.memref_slice %arg4[%add3A_36, %dma_start3A_37] : memref<8192x1024xf32, #tpu.memory_space<hbm>> -> memref<32x1024xf32, #tpu.memory_space<hbm>>
      %dma_start3A_39 = arith.constant 0 : i32
      %dma_start3A_40 = tpu.memref_slice %arg4[%add3A_36, %dma_start3A_39] : memref<8192x1024xf32, #tpu.memory_space<hbm>> -> memref<32x1024xf32, #tpu.memory_space<hbm>>
      tpu.enqueue_dma source(%arg6 : memref<32x1024xf32, #tpu.memory_space<vmem>>) target(%dma_start3A_40 : memref<32x1024xf32, #tpu.memory_space<hbm>>) target_semaphore(%arg10 : memref<!tpu.dma_semaphore, #tpu.memory_space<semaphore_mem>>)
      %dma_wait3A_41 = arith.constant 0 : i32
      %dma_wait3A_42 = tpu.memref_slice %arg5[%dma_wait3A_41] : memref<256xi32, #tpu.memory_space<vmem>> -> memref<32xi32, #tpu.memory_space<vmem>>
      %dma_wait3A_43 = arith.constant 0 : i32
      %dma_wait3A_44 = arith.constant 0 : i32
      %dma_wait3A_45 = tpu.memref_slice %arg3[%dma_wait3A_43, %dma_wait3A_44] : memref<96x1024xf32, #tpu.memory_space<hbm>> -> memref<96x1024xf32, #tpu.memory_space<hbm>>
      tpu.wait_indirect_dma semaphore(%arg9 : memref<!tpu.dma_semaphore, #tpu.memory_space<semaphore_mem>>) src(%dma_wait3A_45 : memref<96x1024xf32, #tpu.memory_space<hbm>>) dst(%arg7 : memref<32x1024xf32, #tpu.memory_space<vmem>>)
      %dma_wait3A_46 = arith.constant 0 : i32
      %dma_wait3A_47 = tpu.memref_slice %arg4[%mul3A_2, %dma_wait3A_46] : memref<8192x1024xf32, #tpu.memory_space<hbm>> -> memref<32x1024xf32, #tpu.memory_space<hbm>>
      %dma_wait3A_48 = arith.constant 0 : i32
      %dma_wait3A_49 = tpu.memref_slice %arg4[%mul3A_2, %dma_wait3A_48] : memref<8192x1024xf32, #tpu.memory_space<hbm>> -> memref<32x1024xf32, #tpu.memory_space<hbm>>
      tpu.wait_dma2 semaphore(%arg10 : memref<!tpu.dma_semaphore, #tpu.memory_space<semaphore_mem>>) src(%arg6 : memref<32x1024xf32, #tpu.memory_space<vmem>>) dst(%dma_wait3A_49 : memref<32x1024xf32, #tpu.memory_space<hbm>>)
      %lt3A = arith.constant 6 : i32
      %lt3A_50 = arith.cmpi slt, %add3A_18, %lt3A : i32
      %convert_element_type3A_51 = arith.extui %lt3A_50 : i1 to i32
      %cond3A_52 = arith.constant 0 : i32
      %cond3A_53 = arith.cmpi ne, %convert_element_type3A_51, %cond3A_52 : i32
      scf.if %cond3A_53 {
        %add3A_63 = arith.constant 2 : i32
        %add3A_64 = arith.addi %add3A_18, %add3A_63 : i32
        %mul3A_65 = arith.constant 32 : i32
        %mul3A_66 = arith.muli %add3A_64, %mul3A_65 : i32
        %dma_start3A_67 = tpu.memref_slice %arg5[%mul3A_66] : memref<256xi32, #tpu.memory_space<vmem>> -> memref<32xi32, #tpu.memory_space<vmem>>
        %dma_start3A_68 = arith.constant 0 : i32
        %dma_start3A_69 = arith.constant 0 : i32
        %dma_start3A_70 = tpu.memref_slice %arg3[%dma_start3A_68, %dma_start3A_69] : memref<96x1024xf32, #tpu.memory_space<hbm>> -> memref<96x1024xf32, #tpu.memory_space<hbm>>
        tpu.enqueue_indirect_dma source(%dma_start3A_70 : memref<96x1024xf32, #tpu.memory_space<hbm>>) target(%arg6 : memref<32x1024xf32, #tpu.memory_space<vmem>>) offsets(%dma_start3A_67 : memref<32xi32, #tpu.memory_space<vmem>>) semaphore(%arg8 : memref<!tpu.dma_semaphore, #tpu.memory_space<semaphore_mem>>)
      } else {
      }
      %add3A_54 = arith.constant 1 : i32
      %add3A_55 = arith.addi %add3A_18, %add3A_54 : i32
      %mul3A_56 = arith.constant 32 : i32
      %mul3A_57 = arith.muli %add3A_55, %mul3A_56 : i32
      %add3A_58 = arith.addi %mul3A_2, %mul3A_57 : i32
      %dma_start3A_59 = arith.constant 0 : i32
      %dma_start3A_60 = tpu.memref_slice %arg4[%add3A_58, %dma_start3A_59] : memref<8192x1024xf32, #tpu.memory_space<hbm>> -> memref<32x1024xf32, #tpu.memory_space<hbm>>
      %dma_start3A_61 = arith.constant 0 : i32
      %dma_start3A_62 = tpu.memref_slice %arg4[%add3A_58, %dma_start3A_61] : memref<8192x1024xf32, #tpu.memory_space<hbm>> -> memref<32x1024xf32, #tpu.memory_space<hbm>>
      tpu.enqueue_dma source(%arg7 : memref<32x1024xf32, #tpu.memory_space<vmem>>) target(%dma_start3A_62 : memref<32x1024xf32, #tpu.memory_space<hbm>>) target_semaphore(%arg11 : memref<!tpu.dma_semaphore, #tpu.memory_space<semaphore_mem>>)
    }
    %scan3A_10 = arith.constant 4 : i32
    %dma_wait3A = arith.constant 0 : i32
    %dma_wait3A_11 = tpu.memref_slice %arg4[%mul3A_2, %dma_wait3A] : memref<8192x1024xf32, #tpu.memory_space<hbm>> -> memref<32x1024xf32, #tpu.memory_space<hbm>>
    %dma_wait3A_12 = arith.constant 0 : i32
    %dma_wait3A_13 = tpu.memref_slice %arg4[%mul3A_2, %dma_wait3A_12] : memref<8192x1024xf32, #tpu.memory_space<hbm>> -> memref<32x1024xf32, #tpu.memory_space<hbm>>
    tpu.wait_dma2 semaphore(%arg11 : memref<!tpu.dma_semaphore, #tpu.memory_space<semaphore_mem>>) src(%arg7 : memref<32x1024xf32, #tpu.memory_space<vmem>>) dst(%dma_wait3A_13 : memref<32x1024xf32, #tpu.memory_space<hbm>>)
    return
  }
}

module attributes {stable_mosaic.version = 14 : i64} {
  func.func @_tc_body(%arg0: i32, %arg1: memref<1x1x512xi32, #tpu.memory_space<vmem>>, %arg2: memref<3x1024xf32, #tpu.memory_space<vmem>>, %arg3: memref<512x1024xf32, #tpu.memory_space<vmem>>) attributes {dimension_semantics = [#tpu.dimension_semantics<arbitrary>], iteration_bounds = array<i64: 12>, scalar_prefetch = 0 : i64, scratch_operands = 0 : i64, tpu.core_type = #tpu.core_type<tc>, window_params = [{transform_indices = @transform_0, window_bounds = array<i64: 1, 1, 512>}, {pipeline_mode = #tpu.pipeline_mode<synchronous>, transform_indices = @transform_1, window_bounds = array<i64: 3, 1024>}, {transform_indices = @transform_2, window_bounds = array<i64: 512, 1024>}]} {
    %get3A = arith.constant 0 : index
    %get3A_0 = arith.constant 0 : index
    %get3A_1 = arith.constant 0 : index
    %get3A_2 = vector.load %arg1[%get3A, %get3A_0, %get3A_1] : memref<1x1x512xi32, #tpu.memory_space<vmem>>, vector<1x1x512xi32>
    %get3A_3 = vector.shape_cast %get3A_2 : vector<1x1x512xi32> to vector<512xi32>
    %broadcast_in_dim3A = vector.shape_cast %get3A_3 : vector<512xi32> to vector<512x1xi32>
    %get3A_4 = arith.constant 1 : index
    %get3A_5 = arith.constant 0 : index
    %get3A_6 = vector.load %arg2[%get3A_4, %get3A_5] : memref<3x1024xf32, #tpu.memory_space<vmem>>, vector<1x1024xf32>
    %get3A_7 = vector.shape_cast %get3A_6 : vector<1x1024xf32> to vector<1024xf32>
    %broadcast_in_dim3A_8 = vector.shape_cast %get3A_7 : vector<1024xf32> to vector<1x1024xf32>
    %get3A_9 = arith.constant 2 : index
    %get3A_10 = arith.constant 0 : index
    %get3A_11 = vector.load %arg2[%get3A_9, %get3A_10] : memref<3x1024xf32, #tpu.memory_space<vmem>>, vector<1x1024xf32>
    %get3A_12 = vector.shape_cast %get3A_11 : vector<1x1024xf32> to vector<1024xf32>
    %broadcast_in_dim3A_13 = vector.shape_cast %get3A_12 : vector<1024xf32> to vector<1x1024xf32>
    %eq3A = arith.constant 1 : i32
    %eq3A_14 = vector.broadcast %eq3A : i32 to vector<512x1xi32>
    %eq3A_15 = arith.cmpi eq, %broadcast_in_dim3A, %eq3A_14 : vector<512x1xi32>
    %convert_element_type3A = arith.extui %eq3A_15 : vector<512x1xi1> to vector<512x1xi32>
    %convert_element_type3A_16 = arith.sitofp %convert_element_type3A : vector<512x1xi32> to vector<512x1xf32>
    %eq3A_17 = arith.constant 2 : i32
    %eq3A_18 = vector.broadcast %eq3A_17 : i32 to vector<512x1xi32>
    %eq3A_19 = arith.cmpi eq, %broadcast_in_dim3A, %eq3A_18 : vector<512x1xi32>
    %convert_element_type3A_20 = arith.extui %eq3A_19 : vector<512x1xi1> to vector<512x1xi32>
    %convert_element_type3A_21 = arith.sitofp %convert_element_type3A_20 : vector<512x1xi32> to vector<512x1xf32>
    %mul3A = vector.broadcast %convert_element_type3A_16 : vector<512x1xf32> to vector<512x1024xf32>
    %mul3A_22 = vector.broadcast %broadcast_in_dim3A_8 : vector<1x1024xf32> to vector<512x1024xf32>
    %mul3A_23 = arith.mulf %mul3A, %mul3A_22 : vector<512x1024xf32>
    %mul3A_24 = vector.broadcast %convert_element_type3A_21 : vector<512x1xf32> to vector<512x1024xf32>
    %mul3A_25 = vector.broadcast %broadcast_in_dim3A_13 : vector<1x1024xf32> to vector<512x1024xf32>
    %mul3A_26 = arith.mulf %mul3A_24, %mul3A_25 : vector<512x1024xf32>
    %add3A = arith.addf %mul3A_23, %mul3A_26 : vector<512x1024xf32>
    %swap3A = arith.constant 0 : index
    %swap3A_27 = arith.constant 0 : index
    %swap3A_28 = vector.load %arg3[%swap3A, %swap3A_27] : memref<512x1024xf32, #tpu.memory_space<vmem>>, vector<512x1024xf32>
    tpu.vector_store %arg3[%swap3A, %swap3A_27], %add3A {strides = array<i32>} : memref<512x1024xf32, #tpu.memory_space<vmem>>, vector<512x1024xf32>,
    return
  }
  func.func @transform_0(%arg0: i32) -> (i32, i32, i32) {
    %c0_i32 = arith.constant 0 : i32
    %c0_i32_0 = arith.constant 0 : i32
    %c0_i32_1 = arith.constant 0 : i32
    return %arg0, %c0_i32, %c0_i32_0 : i32, i32, i32
  }
  func.func @transform_1(%arg0: i32) -> (i32, i32) {
    %c0_i32 = arith.constant 0 : i32
    %c0_i32_0 = arith.constant 0 : i32
    %c0_i32_1 = arith.constant 0 : i32
    return %c0_i32, %c0_i32_0 : i32, i32
  }
  func.func @transform_2(%arg0: i32) -> (i32, i32) {
    %c0_i32 = arith.constant 0 : i32
    %c0_i32_0 = arith.constant 0 : i32
    return %arg0, %c0_i32 : i32, i32
  }
}

module attributes {stable_mosaic.version = 14 : i64} {
  func.func @_tc_body(%arg0: i32, %arg1: memref<1x1x512xi32, #tpu.memory_space<vmem>>, %arg2: memref<3x1024xf32, #tpu.memory_space<vmem>>, %arg3: memref<512x1024xf32, #tpu.memory_space<vmem>>) attributes {dimension_semantics = [#tpu.dimension_semantics<arbitrary>], iteration_bounds = array<i64: 36>, scalar_prefetch = 0 : i64, scratch_operands = 0 : i64, tpu.core_type = #tpu.core_type<tc>, window_params = [{transform_indices = @transform_0, window_bounds = array<i64: 1, 1, 512>}, {pipeline_mode = #tpu.pipeline_mode<synchronous>, transform_indices = @transform_1, window_bounds = array<i64: 3, 1024>}, {transform_indices = @transform_2, window_bounds = array<i64: 512, 1024>}]} {
    %get3A = arith.constant 0 : index
    %get3A_0 = arith.constant 0 : index
    %get3A_1 = arith.constant 0 : index
    %get3A_2 = vector.load %arg1[%get3A, %get3A_0, %get3A_1] : memref<1x1x512xi32, #tpu.memory_space<vmem>>, vector<1x1x512xi32>
    %get3A_3 = vector.shape_cast %get3A_2 : vector<1x1x512xi32> to vector<512xi32>
    %broadcast_in_dim3A = vector.shape_cast %get3A_3 : vector<512xi32> to vector<512x1xi32>
    %get3A_4 = arith.constant 1 : index
    %get3A_5 = arith.constant 0 : index
    %get3A_6 = vector.load %arg2[%get3A_4, %get3A_5] : memref<3x1024xf32, #tpu.memory_space<vmem>>, vector<1x1024xf32>
    %get3A_7 = vector.shape_cast %get3A_6 : vector<1x1024xf32> to vector<1024xf32>
    %broadcast_in_dim3A_8 = vector.shape_cast %get3A_7 : vector<1024xf32> to vector<1x1024xf32>
    %get3A_9 = arith.constant 2 : index
    %get3A_10 = arith.constant 0 : index
    %get3A_11 = vector.load %arg2[%get3A_9, %get3A_10] : memref<3x1024xf32, #tpu.memory_space<vmem>>, vector<1x1024xf32>
    %get3A_12 = vector.shape_cast %get3A_11 : vector<1x1024xf32> to vector<1024xf32>
    %broadcast_in_dim3A_13 = vector.shape_cast %get3A_12 : vector<1024xf32> to vector<1x1024xf32>
    %eq3A = arith.constant 1 : i32
    %eq3A_14 = vector.broadcast %eq3A : i32 to vector<512x1xi32>
    %eq3A_15 = arith.cmpi eq, %broadcast_in_dim3A, %eq3A_14 : vector<512x1xi32>
    %convert_element_type3A = arith.extui %eq3A_15 : vector<512x1xi1> to vector<512x1xi32>
    %convert_element_type3A_16 = arith.sitofp %convert_element_type3A : vector<512x1xi32> to vector<512x1xf32>
    %eq3A_17 = arith.constant 2 : i32
    %eq3A_18 = vector.broadcast %eq3A_17 : i32 to vector<512x1xi32>
    %eq3A_19 = arith.cmpi eq, %broadcast_in_dim3A, %eq3A_18 : vector<512x1xi32>
    %convert_element_type3A_20 = arith.extui %eq3A_19 : vector<512x1xi1> to vector<512x1xi32>
    %convert_element_type3A_21 = arith.sitofp %convert_element_type3A_20 : vector<512x1xi32> to vector<512x1xf32>
    %mul3A = vector.broadcast %convert_element_type3A_16 : vector<512x1xf32> to vector<512x1024xf32>
    %mul3A_22 = vector.broadcast %broadcast_in_dim3A_8 : vector<1x1024xf32> to vector<512x1024xf32>
    %mul3A_23 = arith.mulf %mul3A, %mul3A_22 : vector<512x1024xf32>
    %mul3A_24 = vector.broadcast %convert_element_type3A_21 : vector<512x1xf32> to vector<512x1024xf32>
    %mul3A_25 = vector.broadcast %broadcast_in_dim3A_13 : vector<1x1024xf32> to vector<512x1024xf32>
    %mul3A_26 = arith.mulf %mul3A_24, %mul3A_25 : vector<512x1024xf32>
    %add3A = arith.addf %mul3A_23, %mul3A_26 : vector<512x1024xf32>
    %swap3A = arith.constant 0 : index
    %swap3A_27 = arith.constant 0 : index
    %swap3A_28 = vector.load %arg3[%swap3A, %swap3A_27] : memref<512x1024xf32, #tpu.memory_space<vmem>>, vector<512x1024xf32>
    tpu.vector_store %arg3[%swap3A, %swap3A_27], %add3A {strides = array<i32>} : memref<512x1024xf32, #tpu.memory_space<vmem>>, vector<512x1024xf32>,
    return
  }
  func.func @transform_0(%arg0: i32) -> (i32, i32, i32) {
    %c0_i32 = arith.constant 0 : i32
    %c0_i32_0 = arith.constant 0 : i32
    %c0_i32_1 = arith.constant 0 : i32
    return %arg0, %c0_i32, %c0_i32_0 : i32, i32, i32
  }
  func.func @transform_1(%arg0: i32) -> (i32, i32) {
    %c0_i32 = arith.constant 0 : i32
    %c0_i32_0 = arith.constant 0 : i32
    %c0_i32_1 = arith.constant 0 : i32
    return %c0_i32, %c0_i32_0 : i32, i32
  }
  func.func @transform_2(%arg0: i32) -> (i32, i32) {
    %c0_i32 = arith.constant 0 : i32
    %c0_i32_0 = arith.constant 0 : i32
    return %arg0, %c0_i32 : i32, i32
  }
}

</mosaic_0001>

<sc_bundles>
// kernel: kernel.5.cloned.1.call-start
scs
__scs_entry_jumppad:
0x0: {  	(pc) =	sbr.rel $0x88, $3  }
0x1: {  	(tag) =	ssettag $0x0;
	lr =	simm.s32 $0x1  }
0x2: {  	[smem:$0x3F9F] =	sst lr;
	_ =	strace $0xD0000000  }
0x3: {  	_ = 	snop  }
0x4: {  	_ = 	snop  }
0x5: {  	_ = 	snop  }
0x6: {  	_ = 	snop  }
0x7: {  	_ = 	snop  }
__scs_overlays_trampoline_lowered:
0x8: {  	[smem:$0x3FAE] =	sst s0  }
0x9: {  	[smem:$0x3FAF] =	sst s1  }
0xa: {  	[smem:$0x3FB0] =	sst s2  }
0xb: {  	[smem:$0x3FB1] =	sst s3  }
0xc: {  	[smem:$0x3FB2] =	sst s4  }
0xd: {  	[smem:$0x3FB3] =	sst s5  }
0xe: {  	[smem:$0x3FB4] =	sst s6  }
0xf: {  	[smem:$0x3FB5] =	sst s7  }
0x10: {  	[smem:$0x3FB6] =	sst s8  }
0x11: {  	[smem:$0x3FB7] =	sst s9;
	s0 =	simm.s32 @!p0 $0x0  }
0x12: {  	s1 =	sld [smem:$0x3F9D];
	s0 =	simm.s32 @p0 $0x1  }
0x13: {  	[smem:$0x3FB8] =	sst s0;
	s0 =	simm.s32 @!p1 $0x0  }
0x14: {  	s2 =	sld [smem:$0x3F9C];
	s0 =	simm.s32 @p1 $0x1  }
0x15: {  	[smem:$0x3FB9] =	sst s0;
	s0 =	simm.s32 @!p2 $0x0  }
0x16: {  	s3 =	sld [smem:$0x3FDB];
	s0 =	simm.s32 @p2 $0x1  }
0x17: {  	s4 =	simm.s32 $0x1BF5;
	[smem:$0x3FBB] =	sst s0  }
0x18: {  	s0 =	sld [smem:$0x3F9E];
	_ =	swait.ge [sflag:s4], $0x0  }
0x19: {  	s7 =	sld [smem:$0x3F9F]  }
0x1a: {  	s8 =	sadd.s32 $0xFFFFE003, lr  }
0x1b: {  	s9 =	sadd.s32 $0xFFFFFEF7, lr;
	s5 =	simm.s32 $0xFFFFFFFF;
	p2 =	slt.u32 s8, $0xFFFFF086  }
0x1c: {  	p1 =	slt.u32 s9, $0xF7A;
	s5 =	simm.s32 @!p2 $0x0  }
0x1d: {  	s5 =	simm.s32 @p1 $0x1;
	p0 =	seq.s32 s7, s2  }
0x1e: {  	s7 =	smul.u32 @!p0 $0xF7A, s2;
	p2 =	seq.s32 @!p0 s5, $0x0  }
0x1f: {  	s9 =	smul.u32 $0xF7A, s1;
	s8 =	simm.s32 @!p0 $0x1BF5;
	p2 =	por !p2, p0  }
0x20: {  	[sflag:s8] =	ssyncset.s32 @!p0 $0xFFFFF086;
	s6 =	sadd.s32 @!p0 s3, s7;
	s7 =	simm.s32 @!p0 $0x108  }
0x21: {  	s3 =	sadd.s32 s3, s9;
	s6 =	sadd.s32 @!p0 $0x88, s6;
	s7 =	simm.s32 @p2 $0x1082  }
0x22: {  	[simem:s7], [sflag:s8] =	dma.local @!p0 [hbm:s6], $0xF7A  }
0x23: {  	s9 =	sor.u32 $0xD0000000, s2;
	s6 =	simm.s32 $0x108;
	_ =	swait.ge @!p0 [sflag:s8], $0x0  }
0x24: {  	s3 =	sadd.s32 $0x88, s3;
	s6 =	simm.s32 @!p1 $0x1082;
	[sflag:s4] =	ssyncset.s32 $0xFFFFF086  }
0x25: {  	[simem:s6], [sflag:s4] =	dma.local [hbm:s3], $0xF7A  }
0x26: {  	[smem:$0x3F9F] =	sst s1;
	(tag) =	ssettag s2;
	_ =	strace s9  }
0x27: {  	s1 =	sld [smem:$0x3FAF]  }
0x28: {  	s2 =	sld [smem:$0x3FB0]  }
0x29: {  	s4 =	sld [smem:$0x3FB2]  }
0x2a: {  	p0 =	seq.s32 s5, $0x0;
	s5 =	sld [smem:$0x3FB3]  }
0x2b: {  	s6 =	sld [smem:$0x3FB4]  }
0x2c: {  	s7 =	sld [smem:$0x3FB5]  }
0x2d: {  	s3 =	simm.s32 $0x108;
	s8 =	sld [smem:$0x3FB6]  }
0x2e: {  	s3 =	simm.s32 @!p0 $0x1082;
	s9 =	sld [smem:$0x3FB7]  }
0x2f: {  	lr =	sadd.s32 s0, s3;
	s0 =	sld [smem:$0x3FAE]  }
0x30: {  	s3 =	sld [smem:$0x3FB1]  }
0x31: {  	[smem:$0x3FBA] =	sst s10  }
0x32: {  	s10 =	sld [smem:$0x3FB8];
	_ =	sdelay $0x3  }
0x33: {  	p0 =	seq.s32 s10, $0x1;
	s10 =	sld [smem:$0x3FBA];
	_ =	sdelay $0x3  }
0x34: {  	[smem:$0x3FBA] =	sst s10  }
0x35: {  	s10 =	sld [smem:$0x3FB9];
	_ =	sdelay $0x3  }
0x36: {  	p1 =	seq.s32 s10, $0x1;
	s10 =	sld [smem:$0x3FBA];
	_ =	sdelay $0x3  }
0x37: {  	[smem:$0x3FBA] =	sst s10  }
0x38: {  	s10 =	sld [smem:$0x3FBB]  }
0x39: {  	_ = 	snop;
	(pc) =	sbr.ind lr, $3  }
0x3a: {  	_ = 	snop  }
0x3b: {  	_ = 	snop  }
0x3c: {  	p2 =	seq.s32 s10, $0x1;
	s10 =	sld [smem:$0x3FBA]  }
0x3d: {  	_ =	shalt  }
0x3e: {  	_ =	shalt  }
0x3f: {  	_ =	shalt  }
0x40: {  	_ =	shalt  }
0x41: {  	_ =	shalt  }
0x42: {  	_ =	shalt  }
0x43: {  	_ =	shalt  }
0x44: {  	_ =	shalt  }
0x45: {  	_ =	shalt  }
0x46: {  	_ =	shalt  }
0x47: {  	_ =	shalt  }
0x48: {  	_ =	shalt  }
0x49: {  	_ =	shalt  }
0x4a: {  	_ =	shalt  }
0x4b: {  	_ =	shalt  }
0x4c: {  	_ =	shalt  }
0x4d: {  	_ =	shalt  }
0x4e: {  	_ =	shalt  }
0x4f: {  	_ =	shalt  }
0x50: {  	_ =	shalt  }
0x51: {  	_ =	shalt  }
0x52: {  	_ =	shalt  }
0x53: {  	_ =	shalt  }
0x54: {  	_ =	shalt  }
0x55: {  	_ =	shalt  }
0x56: {  	_ =	shalt  }
0x57: {  	_ =	shalt  }
0x58: {  	_ =	shalt  }
0x59: {  	_ =	shalt  }
0x5a: {  	_ =	shalt  }
0x5b: {  	_ =	shalt  }
0x5c: {  	_ =	shalt  }
0x5d: {  	_ =	shalt  }
0x5e: {  	_ =	shalt  }
0x5f: {  	_ =	shalt  }
0x60: {  	_ =	shalt  }
0x61: {  	_ =	shalt  }
0x62: {  	_ =	shalt  }
0x63: {  	_ =	shalt  }
0x64: {  	_ =	shalt  }
0x65: {  	_ =	shalt  }
0x66: {  	_ =	shalt  }
0x67: {  	_ =	shalt  }
0x68: {  	_ =	shalt  }
0x69: {  	_ =	shalt  }
0x6a: {  	_ =	shalt  }
0x6b: {  	_ =	shalt  }
0x6c: {  	_ =	shalt  }
0x6d: {  	_ =	shalt  }
0x6e: {  	_ =	shalt  }
0x6f: {  	_ =	shalt  }
0x70: {  	_ =	shalt  }
0x71: {  	_ =	shalt  }
0x72: {  	_ =	shalt  }
0x73: {  	_ =	shalt  }
0x74: {  	_ =	shalt  }
0x75: {  	_ =	shalt  }
0x76: {  	_ =	shalt  }
0x77: {  	_ =	shalt  }
0x78: {  	_ =	shalt  }
0x79: {  	_ =	shalt  }
0x7a: {  	_ =	shalt  }
0x7b: {  	_ =	shalt  }
0x7c: {  	_ =	shalt  }
0x7d: {  	_ =	shalt  }
0x7e: {  	_ =	shalt  }
0x7f: {  	_ =	shalt  }
0x80: {  	_ =	shalt  }
0x81: {  	_ =	shalt  }
0x82: {  	_ =	shalt  }
0x83: {  	_ =	shalt  }
0x84: {  	_ =	shalt  }
0x85: {  	_ =	shalt  }
0x86: {  	_ =	shalt  }
0x87: {  	_ =	shalt  }
.Lfunc_end0:
.L_simem_size_0:
called_computation_lowered:
.L_overlay_start_0:
0x88: {  	s2 =	sld [smem:$0x3FD9]  }
0x89: {  	s3 =	sld [smem:$0x3FFE];
	_ =	sdelay $0x1  }
0x8a: {  	s1 =	srdreg.scid  }
0x8b: {  	s0 =	sand.u32 $0x1, s1  }
0x8c: {  	s14 =	sshll.u32 s0, $0xA;
	s2 =	sadd.s32 s3, s2  }
0x8d: {  	s2 =	sadd.s32 s2, s14  }
0x8e: {  	[smem:$0x3FC6] =	sst s2  }
0x8f: {  	_ = 	snop  }
0x90: {  	s2 =	sld [smem:$0x3FD0];
	_ =	sdelay $0x2  }
0x91: {  	s15 =	simm.s32 $0xA;
	s4 =	simm.s32 $0x10  }
0x92: {  	[smem:s4], [sflag:s15] =	dma.local [hbm:s2], $0x1  }
0x93: {  	_ =	swait.eq [sflag:s15], $0x1  }
0x94: {  	[sflag:s15] =	ssyncset.done $0x0  }
0x95: {  	[sflag:s15] =	ssyncadd.s32 $0xFFFFFFFF  }
0x96: {  	s16 =	sld [smem:$0x10];
	(tm) =	ssettm $0x1  }
0x97: {  	s17 =	sld [smem:$0x3FFB];
	_ =	sdelay $0x3  }
0x98: {  	_ =	strace s17  }
0x99: {  	s3 =	sld [smem:$0x3FFC];
	_ =	sdelay $0x3  }
0x9a: {  	_ =	strace s3  }
0x9b: {  	s3 =	sld [smem:$0x3FFD];
	_ =	sdelay $0x3  }
0x9c: {  	_ =	strace s3  }
0x9d: {  	_ =	strace $0x8FFFFFFF  }
0x9e: {  	s18 =	sld [smem:$0x3FDB];
	_ =	sdelay $0x1  }
0x9f: {  	s19 =	simm.s32 $_scs_section_size  }
0xa0: {  	s5 =	simm.s32 $_size__tile_overlayer_lowered;
	s6 =	simm.s32 $_tile_overlayer_lowered  }
0xa1: {  	s22 =	simm.s32 $0x1BFF;
	s21 =	sshll.u32 s6, $0x1;
	s3 =	sadd.s32 s19, s18  }
0xa2: {  	s7 =	simm.s32 $0x0;
	s20 =	sshll.u32 s5, $0x1;
	s5 =	sadd.s32 s21, s3  }
0xa3: {  	[timem:s7], [sflag:s22] =	dma.local [hbm:s5], s20  }
0xa4: {  	_ =	swait.ge [sflag:s22], s20  }
0xa5: {  	s4 =	ssub.s32 $0x0, s20;
	[sflag:s22] =	ssyncset.done $0x0  }
0xa6: {  	[sflag:s22] =	ssyncadd.s32 s4;
	_ =	sdelay $0x1  }
0xa7: {  	s23 =	simm.s32 $0x1B8B  }
0xa8: {  	_ =	swait.ge [sflag:s23], $0x1  }
0xa9: {  	[sflag:s23] =	ssyncset.done $0x0  }
0xaa: {  	s25 =	simm.s32 $0x1B8E;
	s24 =	sld [smem:$0x3FFE];
	[sflag:s23] =	ssyncadd.s32 $0xFFFFFFFF  }
0xab: {  	s26 =	simm.s32 $execute0_lowered;
	[smem:$0x3FD2] =	sst s25  }
0xac: {  	s5 =	sshll.u32 s26, $0x1;
	_ =	strace $0x80000046;
	[dreg:$0x1] =	wrdreg $0xFFFFFFFF  }
0xad: {  	s28 =	simm.s32 $_size_execute0_lowered;
	s3 =	sadd.s32 s3, s5;
	[dreg:$0x0] =	wrdreg $0x0  }
0xae: {  	s5 =	sshll.u32 s28, $0x1;
	[dreg:$0x2] =	wrdreg s3  }
0xaf: {  	[dreg:$0x3] =	wrdreg s5  }
0xb0: {  	[dreg:$0x4] =	wrdreg $0xC0  }
0xb1: {  	_ =	task [dreg:s7], $0x5FFFF  }
0xb2: {  	[dreg:$0x1] =	wrdreg $0xFFFFFFFF  }
0xb3: {  	[dreg:$0x0] =	wrdreg $0x60  }
0xb4: {  	[dreg:$0x2] =	wrdreg s24  }
0xb5: {  	[dreg:$0x3] =	wrdreg s16  }
0xb6: {  	[dreg:$0x4] =	wrdreg $0x9  }
0xb7: {  	_ =	task.clear_ibuf [dreg:s7], $0x5FFFF;
	_ =	strace $0x90000046  }
0xb8: {  	s29 =	simm.s32 $0x9;
	_ =	strace $0x80000048  }
0xb9: {  	_ =	swait.ge [sflag:s29], $0x1  }
0xba: {  	[sflag:s29] =	ssyncadd.s32 $0xFFFFFFFF  }
0xbb: {  	_ =	strace $0x90000048  }
0xbc: {  	_ =	sfence  }
0xbd: {  	s30 =	sld [smem:$0x0];
	_ =	sdelay $0x2  }
0xbe: {  	s31 =	sshll.u32 s1, $0xD;
	s1 =	sshrl.u32 s1, $0x2  }
0xbf: {  	s3 =	sand.u32 $0x4000, s31;
	s1 =	sadd.s32 s1, s30  }
0xc0: {  	s0 =	sor.u32 s3, s0;
	s1 =	sshll.u32 s1, $0x11  }
0xc1: {  	s0 =	sor.u32 s1, s0  }
0xc2: {  	s0 =	sadd.s32 $0x8F2B, s0  }
0xc3: {  	[sflag:s0] =	ssyncadd.remote.s32 $0x1  }
0xc4: {  	_ =	sfence.sel $0xFFFF  }
0xc5: {  	[dreg:$0x0] =	wrdreg $0xFFFFFFFF;
	(pc) =	sbr.abs _section_cstart, $3  }
0xc6: {  	[dreg:$0x1] =	wrdreg $0xFFFFFFFF  }
0xc7: {  	_ =	task.clear_ibuf [dreg:s7], $0x2FFFF;
	_ =	strace $0x9FFFFFFF  }
0xc8: {  	(tm) =	ssettm $0x7FFFFFFF  }
0xc9: {  	_ =	shalt  }
tec
execute0_lowered:
.L_overlay_start_1:
0x0: {  	(tag) =	ssettag $0x1  }
0x1: {  	s0 =	rddreg [dreg:$0x0]  }
0x2: {  	s1 =	rddreg [dreg:$0x1]  }
0x3: {  	s2 =	srdreg.scid;
	s9 =	stileid.u32;
	s13 =	simm.s32 $0x8900  }
0x4: {  	s14 =	simm.s32 $0x9100;
	s15 =	simm.s32 $0x9900;
	s16 =	simm.s32 $0xA100  }
0x5: {  	s17 =	simm.s32 $0xA900;
	s18 =	simm.s32 $0xB100;
	s19 =	simm.s32 $0xB900  }
0x6: {  	s20 =	simm.s32 $0xC100;
	s21 =	simm.s32 $0xC900;
	s22 =	simm.s32 $0xD100  }
0x7: {  	s23 =	simm.s32 $0xD900;
	s6 =	sand.u32 $0x1, s2;
	s2 =	simm.s32 $0x0  }
0x8: {  	s24 =	simm.s32 $0xE100;
	s25 =	simm.s32 $0xE900;
	[smem:$0x7FF] =	sst s2  }
0x9: {  	s26 =	simm.s32 $0xF100;
	_ =	strace $0x80000047;
	[dreg:$0x4] =	wrdreg s13  }
0xa: {  	s28 =	simm.s32 $0x8100;
	s29 =	simm.s32 $0xF900;
	[dreg:$0x5] =	wrdreg s14  }
0xb: {  	s30 =	simm.s32 $0x2;
	s31 =	simm.s32 $0x3;
	[dreg:$0x6] =	wrdreg s15  }
0xc: {  	s3 =	sshll.u32 s9, $0x9;
	s10 =	sshll.u32 s9, $0x10;
	[dreg:$0x7] =	wrdreg s16  }
0xd: {  	s9 =	simm.s32 $0x5;
	s4 =	sshll.u32 s6, $0x8;
	[dreg:$0x8] =	wrdreg s17  }
0xe: {  	s8 =	ssub.s32 $0x2, s6;
	s1 =	sadd.s32 s10, s1;
	[dreg:$0x9] =	wrdreg s18  }
0xf: {  	s11 =	sshll.u32 s6, $0xF;
	s6 =	sadd.s32 $0xA00, s0;
	[dreg:$0xa] =	wrdreg s19  }
0x10: {  	s10 =	simm.s32 $0x100;
	s3 =	sor.u32 s4, s3;
	[dreg:$0xb] =	wrdreg s20  }
0x11: {  	s7 =	sshrl.u32 s8, $0x1;
	s12 =	sadd.s32 s11, s1;
	[dreg:$0xc] =	wrdreg s21  }
0x12: {  	s16 =	simm.s32 $0x3100;
	s17 =	simm.s32 $0x3900;
	[dreg:$0xd] =	wrdreg s22  }
0x13: {  	s18 =	simm.s32 $0x4100;
	s19 =	simm.s32 $0x4900;
	[dreg:$0xe] =	wrdreg s23  }
0x14: {  	s20 =	simm.s32 $0x5100;
	s21 =	simm.s32 $0x5900;
	[dreg:$0xf] =	wrdreg s24  }
0x15: {  	s22 =	simm.s32 $0x6100;
	s23 =	simm.s32 $0x6900;
	[dreg:$0x10] =	wrdreg s25  }
0x16: {  	s24 =	simm.s32 $0x7100;
	[dreg:$0x11] =	wrdreg s26;
	s25 =	simm.s32 $0x7900  }
0x17: {  	s26 =	simm.s32 $0x1;
	s1 =	simm.s32 $0x0;
	s3 =	sshrl.u32 s3, $0x3  }
0x18: {  	v2 =	vlaneseq.u32;
	s8 =	ssub.s32 s8, s7;
	s7 =	sadd.s32 $0xB00, s0;
	[dreg:$0x3] =	wrdreg s12  }
0x19: {  	vm0 =	vmmov $0xffff;
	v1 =	vshrl.u32 v2, $0x3;
	s5 =	sadd.s32 s3, s0;
	s3 =	sadd.s32 $0x800, s0;
	s8 =	smax.u32 s8, $0x1  }
0x1a: {  	v0 =	vand.u32 $0x7, v2;
	v2 =	vor.u32 $0x8, v2;
	v1 =	vmul.u32 $0x8, v1;
	s4 =	sadd.s32 $0x400, s5;
	s5 =	sadd.s32 $0x900, s0;
	s0 =	simm.s32 $0x4  }
.LBB2_1:
0x1b: {  	[tilespmem:s2], [sflag:$0x5] =	stream.linear.gather [hbm4b:s4+s2], $0x100, $0x38;
	[tilespmem:$0x10100] =	vst v63  }
0x1c: {  	_ =	swait.ge [sflag:s9], $0x100  }
0x1d: {  	[sflag:s9] =	ssyncset.done $0x0  }
0x1e: {  	[sflag:s9] =	ssyncadd.s32 $0xFFFFFF00  }
0x1f: {  	v3 =	vld [tilespmem:$0x0];
	_ =	sdelay $0x4  }
0x20: {  	v4 =	vshll.u32 v3, $0x3  }
0x21: {  	v3 =	vand.u32 $0x7, v3;
	v4 =	vand.u32 $0xFFFFFFC0, v4  }
0x22: {  	v3 =	vor.u32 v3, v4  }
0x23: {  	v4 =	vperm.xlane v3, v0;
	_ =	sdelay $0x1  }
0x24: {  	v4 =	vadd.s32 v1, v4;
	_ =	sdelay $0x4  }
0x25: {  	[tilespmem:s10], [sflag:$0x1] =	stream.indirect_vreg.gather [hbm4b:s3+s2], $0x80, v4, vm0, $0xb8;
	[tilespmem:$0x10100] =	vst v63  }
0x26: {  	s11 =	simm.s32 $0x900;
	v3 =	vperm.xlane v3, v2  }
0x27: {  	[tilespmem:s11], [sflag:$0x1] =	stream.indirect_vreg.gather [hbm4b:s5+s2], $0x80, v4, vm0, $0xb8;
	[tilespmem:$0x10100] =	vst v63  }
0x28: {  	s12 =	simm.s32 $0x1100;
	v3 =	vadd.s32 v1, v3  }
0x29: {  	[tilespmem:s12], [sflag:$0x1] =	stream.indirect_vreg.gather [hbm4b:s6+s2], $0x80, v4, vm0, $0xb8;
	[tilespmem:$0x10100] =	vst v63  }
0x2a: {  	s13 =	simm.s32 $0x1900  }
0x2b: {  	[tilespmem:s13], [sflag:$0x1] =	stream.indirect_vreg.gather [hbm4b:s7+s2], $0x80, v4, vm0, $0xb8;
	[tilespmem:$0x10100] =	vst v63  }
0x2c: {  	s14 =	simm.s32 $0x2100  }
0x2d: {  	[tilespmem:s14], [sflag:$0x1] =	stream.indirect_vreg.gather [hbm4b:s3+s2], $0x80, v3, vm0, $0xb8;
	[tilespmem:$0x10100] =	vst v63  }
0x2e: {  	s15 =	simm.s32 $0x2900  }
0x2f: {  	[tilespmem:s15], [sflag:$0x1] =	stream.indirect_vreg.gather [hbm4b:s5+s2], $0x80, v3, vm0, $0xb8;
	[tilespmem:$0x10100] =	vst v63  }
0x30: {  	_ = 	snop  }
0x31: {  	[tilespmem:s16], [sflag:$0x1] =	stream.indirect_vreg.gather [hbm4b:s6+s2], $0x80, v3, vm0, $0xb8;
	[tilespmem:$0x10100] =	vst v63  }
0x32: {  	_ = 	snop  }
0x33: {  	[tilespmem:s17], [sflag:$0x1] =	stream.indirect_vreg.gather [hbm4b:s7+s2], $0x80, v3, vm0, $0xb8;
	[tilespmem:$0x10100] =	vst v63  }
0x34: {  	v3 =	vld [tilespmem:$0x10];
	_ =	sdelay $0x4  }
0x35: {  	v63 =	vshll.u32 v3, $0x3  }
0x36: {  	v3 =	vand.u32 $0x7, v3;
	v4 =	vand.u32 $0xFFFFFFC0, v63  }
0x37: {  	v3 =	vor.u32 v3, v4  }
0x38: {  	v4 =	vperm.xlane v3, v0;
	_ =	sdelay $0x1  }
0x39: {  	v4 =	vadd.s32 v1, v4;
	_ =	sdelay $0x4  }
0x3a: {  	[tilespmem:s18], [sflag:$0x1] =	stream.indirect_vreg.gather [hbm4b:s3+s2], $0x80, v4, vm0, $0xb8;
	[tilespmem:$0x10100] =	vst v63  }
0x3b: {  	v3 =	vperm.xlane v3, v2  }
0x3c: {  	[tilespmem:s19], [sflag:$0x1] =	stream.indirect_vreg.gather [hbm4b:s5+s2], $0x80, v4, vm0, $0xb8;
	[tilespmem:$0x10100] =	vst v63  }
0x3d: {  	v3 =	vadd.s32 v1, v3  }
0x3e: {  	[tilespmem:s20], [sflag:$0x1] =	stream.indirect_vreg.gather [hbm4b:s6+s2], $0x80, v4, vm0, $0xb8;
	[tilespmem:$0x10100] =	vst v63  }
0x3f: {  	_ = 	snop  }
0x40: {  	[tilespmem:s21], [sflag:$0x1] =	stream.indirect_vreg.gather [hbm4b:s7+s2], $0x80, v4, vm0, $0xb8;
	[tilespmem:$0x10100] =	vst v63  }
0x41: {  	_ = 	snop  }
0x42: {  	[tilespmem:s22], [sflag:$0x1] =	stream.indirect_vreg.gather [hbm4b:s3+s2], $0x80, v3, vm0, $0xb8;
	[tilespmem:$0x10100] =	vst v63  }
0x43: {  	_ = 	snop  }
0x44: {  	[tilespmem:s23], [sflag:$0x1] =	stream.indirect_vreg.gather [hbm4b:s5+s2], $0x80, v3, vm0, $0xb8;
	[tilespmem:$0x10100] =	vst v63  }
0x45: {  	_ = 	snop  }
0x46: {  	[tilespmem:s24], [sflag:$0x1] =	stream.indirect_vreg.gather [hbm4b:s6+s2], $0x80, v3, vm0, $0xb8;
	[tilespmem:$0x10100] =	vst v63  }
0x47: {  	s11 =	simm.s32 $0x30;
	s12 =	simm.s32 $0x0  }
0x48: {  	[tilespmem:s25], [sflag:$0x1] =	stream.indirect_vreg.gather [hbm4b:s7+s2], $0x80, v3, vm0, $0xb8;
	[tilespmem:$0x10100] =	vst v63  }
.LBB2_2:
0x49: {  	_ =	swait.ge [sflag:s26], $0x8000  }
0x4a: {  	p0 =	seq.s32 s12, $0x0;
	[sflag:s26] =	ssyncset.done $0x0  }
0x4b: {  	s13 =	simm.s32 @!p0 $0x4;
	[sflag:s26] =	ssyncadd.s32 $0xFFFF8000  }
0x4c: {  	_ =	swait.ge @!p0 [sflag:s13], $0x8000  }
0x4d: {  	[sflag:s13] =	ssyncset.done @!p0 $0x0  }
0x4e: {  	[sflag:s13] =	ssyncadd.s32 @!p0 $0xFFFF8000  }
0x4f: {  	v3 =	vld [tilespmem:s11+$0xFFFFFFF0];
	_ =	sdelay $0x4  }
0x50: {  	v4 =	vshll.u32 v3, $0x3  }
0x51: {  	v3 =	vand.u32 $0x7, v3;
	v4 =	vand.u32 $0xFFFFFFC0, v4  }
0x52: {  	v3 =	vor.u32 v3, v4  }
0x53: {  	v4 =	vperm.xlane v3, v0;
	_ =	sdelay $0x1  }
0x54: {  	v4 =	vadd.s32 v1, v4;
	_ =	sdelay $0x4  }
0x55: {  	[tilespmem:s28], [sflag:$0x2] =	stream.indirect_vreg.gather [hbm4b:s3+s2], $0x80, v4, vm0, $0xb8;
	[tilespmem:$0x10100] =	vst v63  }
0x56: {  	s15 =	rddreg [dreg:$0x4];
	v3 =	vperm.xlane v3, v2  }
0x57: {  	[tilespmem:s15], [sflag:$0x2] =	stream.indirect_vreg.gather [hbm4b:s5+s2], $0x80, v4, vm0, $0xb8;
	[tilespmem:$0x10100] =	vst v63  }
0x58: {  	s14 =	rddreg [dreg:$0x5];
	v3 =	vadd.s32 v1, v3  }
0x59: {  	[tilespmem:s14], [sflag:$0x2] =	stream.indirect_vreg.gather [hbm4b:s6+s2], $0x80, v4, vm0, $0xb8;
	[tilespmem:$0x10100] =	vst v63  }
0x5a: {  	s15 =	rddreg [dreg:$0x6]  }
0x5b: {  	[tilespmem:s15], [sflag:$0x2] =	stream.indirect_vreg.gather [hbm4b:s7+s2], $0x80, v4, vm0, $0xb8;
	[tilespmem:$0x10100] =	vst v63  }
0x5c: {  	s14 =	rddreg [dreg:$0x7]  }
0x5d: {  	[tilespmem:s14], [sflag:$0x2] =	stream.indirect_vreg.gather [hbm4b:s3+s2], $0x80, v3, vm0, $0xb8;
	[tilespmem:$0x10100] =	vst v63  }
0x5e: {  	s15 =	rddreg [dreg:$0x8]  }
0x5f: {  	[tilespmem:s15], [sflag:$0x2] =	stream.indirect_vreg.gather [hbm4b:s5+s2], $0x80, v3, vm0, $0xb8;
	[tilespmem:$0x10100] =	vst v63  }
0x60: {  	s14 =	rddreg [dreg:$0x9]  }
0x61: {  	[tilespmem:s14], [sflag:$0x2] =	stream.indirect_vreg.gather [hbm4b:s6+s2], $0x80, v3, vm0, $0xb8;
	[tilespmem:$0x10100] =	vst v63  }
0x62: {  	s15 =	rddreg [dreg:$0xa]  }
0x63: {  	[tilespmem:s15], [sflag:$0x2] =	stream.indirect_vreg.gather [hbm4b:s7+s2], $0x80, v3, vm0, $0xb8;
	[tilespmem:$0x10100] =	vst v63  }
0x64: {  	v3 =	vld [tilespmem:s11+$0x0];
	_ =	sdelay $0x4  }
0x65: {  	v63 =	vshll.u32 v3, $0x3  }
0x66: {  	v3 =	vand.u32 $0x7, v3;
	v4 =	vand.u32 $0xFFFFFFC0, v63  }
0x67: {  	v3 =	vor.u32 v3, v4  }
0x68: {  	v4 =	vperm.xlane v3, v0;
	_ =	sdelay $0x1  }
0x69: {  	v4 =	vadd.s32 v1, v4;
	_ =	sdelay $0x3  }
0x6a: {  	s15 =	rddreg [dreg:$0xb]  }
0x6b: {  	[tilespmem:s15], [sflag:$0x2] =	stream.indirect_vreg.gather [hbm4b:s3+s2], $0x80, v4, vm0, $0xb8;
	[tilespmem:$0x10100] =	vst v63  }
0x6c: {  	s14 =	rddreg [dreg:$0xc];
	v3 =	vperm.xlane v3, v2  }
0x6d: {  	[tilespmem:s14], [sflag:$0x2] =	stream.indirect_vreg.gather [hbm4b:s5+s2], $0x80, v4, vm0, $0xb8;
	[tilespmem:$0x10100] =	vst v63  }
0x6e: {  	v3 =	vadd.s32 v1, v3;
	s15 =	rddreg [dreg:$0xd]  }
0x6f: {  	[tilespmem:s15], [sflag:$0x2] =	stream.indirect_vreg.gather [hbm4b:s6+s2], $0x80, v4, vm0, $0xb8;
	[tilespmem:$0x10100] =	vst v63  }
0x70: {  	s14 =	rddreg [dreg:$0xe]  }
0x71: {  	[tilespmem:s14], [sflag:$0x2] =	stream.indirect_vreg.gather [hbm4b:s7+s2], $0x80, v4, vm0, $0xb8;
	[tilespmem:$0x10100] =	vst v63  }
0x72: {  	s15 =	rddreg [dreg:$0xf]  }
0x73: {  	[tilespmem:s15], [sflag:$0x2] =	stream.indirect_vreg.gather [hbm4b:s3+s2], $0x80, v3, vm0, $0xb8;
	[tilespmem:$0x10100] =	vst v63  }
0x74: {  	s14 =	rddreg [dreg:$0x10]  }
0x75: {  	[tilespmem:s14], [sflag:$0x2] =	stream.indirect_vreg.gather [hbm4b:s5+s2], $0x80, v3, vm0, $0xb8;
	[tilespmem:$0x10100] =	vst v63  }
0x76: {  	s15 =	rddreg [dreg:$0x11]  }
0x77: {  	[tilespmem:s15], [sflag:$0x2] =	stream.indirect_vreg.gather [hbm4b:s6+s2], $0x80, v3, vm0, $0xb8;
	[tilespmem:$0x10100] =	vst v63  }
0x78: {  	s15 =	rddreg [dreg:$0x3]  }
0x79: {  	[tilespmem:s29], [sflag:$0x2] =	stream.indirect_vreg.gather [hbm4b:s7+s2], $0x80, v3, vm0, $0xb8;
	[tilespmem:$0x10100] =	vst v63  }
0x7a: {  	s13 =	sadd.s32 s12, s15  }
0x7b: {  	[hbm4b:s13+s2] =	stream.linear.scatter [tilespmem:s10], [sflag:$0x3], $0x8000, $0x38;
	[tilespmem:$0x10100] =	vst v63  }
0x7c: {  	_ =	swait.ge [sflag:s30], $0x8000  }
0x7d: {  	[sflag:s30] =	ssyncset.done $0x0  }
0x7e: {  	[sflag:s30] =	ssyncadd.s32 $0xFFFF8000  }
0x7f: {  	_ =	swait.ge [sflag:s31], $0x8000  }
0x80: {  	[sflag:s31] =	ssyncset.done $0x0  }
0x81: {  	p0 =	seq.s32 s12, $0x6000;
	[sflag:s31] =	ssyncadd.s32 $0xFFFF8000  }
0x82: {  	v3 =	vld @!p0 [tilespmem:s11+$0x10];
	_ =	sdelay $0x4  }
0x83: {  	v4 =	vshll.u32 @!p0 v3, $0x3  }
0x84: {  	v5 =	vlaneseq.u32 @!p0;
	v3 =	vand.u32 @!p0 $0x7, v3;
	v4 =	vand.u32 @!p0 $0xFFFFFFC0, v4  }
0x85: {  	v6 =	vshrl.u32 @!p0 v5, $0x3;
	v3 =	vor.u32 @!p0 v3, v4;
	v4 =	vand.u32 @!p0 $0x7, v5  }
0x86: {  	v6 =	vmul.u32 @!p0 $0x8, v6;
	v7 =	vperm.xlane @!p0 v3, v4;
	_ =	sdelay $0x1  }
0x87: {  	v7 =	vadd.s32 @!p0 v6, v7;
	_ =	sdelay $0x3  }
0x88: {  	vm1 =	vmmov @!p0 $0xffff;
	s14 =	simm.s32 @!p0 $0x0;
	s15 =	simm.s32 @!p0 $0x100  }
0x89: {  	v5 =	vor.u32 @!p0 $0x8, v5;
	[tilespmem:s15], [sflag:$0x1] =	stream.indirect_vreg.gather @!p0 [hbm4b:s3+s14], $0x80, v7, vm1, $0xb8;
	[tilespmem:$0x10100] =	vst v63  }
0x8a: {  	v3 =	vperm.xlane @!p0 v3, v5;
	s15 =	simm.s32 @!p0 $0x900  }
0x8b: {  	[tilespmem:s15], [sflag:$0x1] =	stream.indirect_vreg.gather @!p0 [hbm4b:s5+s14], $0x80, v7, vm1, $0xb8;
	[tilespmem:$0x10100] =	vst v63  }
0x8c: {  	v3 =	vadd.s32 @!p0 v6, v3;
	s15 =	simm.s32 @!p0 $0x1100  }
0x8d: {  	[tilespmem:s15], [sflag:$0x1] =	stream.indirect_vreg.gather @!p0 [hbm4b:s6+s14], $0x80, v7, vm1, $0xb8;
	[tilespmem:$0x10100] =	vst v63  }
0x8e: {  	s15 =	simm.s32 @!p0 $0x1900  }
0x8f: {  	[tilespmem:s15], [sflag:$0x1] =	stream.indirect_vreg.gather @!p0 [hbm4b:s7+s14], $0x80, v7, vm1, $0xb8;
	[tilespmem:$0x10100] =	vst v63  }
0x90: {  	s15 =	simm.s32 @!p0 $0x2100  }
0x91: {  	[tilespmem:s15], [sflag:$0x1] =	stream.indirect_vreg.gather @!p0 [hbm4b:s3+s14], $0x80, v3, vm1, $0xb8;
	[tilespmem:$0x10100] =	vst v63  }
0x92: {  	s15 =	simm.s32 @!p0 $0x2900  }
0x93: {  	[tilespmem:s15], [sflag:$0x1] =	stream.indirect_vreg.gather @!p0 [hbm4b:s5+s14], $0x80, v3, vm1, $0xb8;
	[tilespmem:$0x10100] =	vst v63  }
0x94: {  	s15 =	simm.s32 @!p0 $0x3100  }
0x95: {  	[tilespmem:s15], [sflag:$0x1] =	stream.indirect_vreg.gather @!p0 [hbm4b:s6+s14], $0x80, v3, vm1, $0xb8;
	[tilespmem:$0x10100] =	vst v63  }
0x96: {  	s15 =	simm.s32 @!p0 $0x3900  }
0x97: {  	[tilespmem:s15], [sflag:$0x1] =	stream.indirect_vreg.gather @!p0 [hbm4b:s7+s14], $0x80, v3, vm1, $0xb8;
	[tilespmem:$0x10100] =	vst v63  }
0x98: {  	v3 =	vld @!p0 [tilespmem:s11+$0x20];
	_ =	sdelay $0x4  }
0x99: {  	v7 =	vshll.u32 @!p0 v3, $0x3  }
0x9a: {  	v3 =	vand.u32 @!p0 $0x7, v3;
	v7 =	vand.u32 @!p0 $0xFFFFFFC0, v7  }
0x9b: {  	v3 =	vor.u32 @!p0 v3, v7  }
0x9c: {  	v4 =	vperm.xlane @!p0 v3, v4;
	_ =	sdelay $0x1  }
0x9d: {  	v4 =	vadd.s32 @!p0 v6, v4;
	_ =	sdelay $0x3  }
0x9e: {  	s15 =	simm.s32 @!p0 $0x4100  }
0x9f: {  	[tilespmem:s15], [sflag:$0x1] =	stream.indirect_vreg.gather @!p0 [hbm4b:s3+s14], $0x80, v4, vm1, $0xb8;
	[tilespmem:$0x10100] =	vst v63  }
0xa0: {  	v3 =	vperm.xlane @!p0 v3, v5;
	s15 =	simm.s32 @!p0 $0x4900  }
0xa1: {  	[tilespmem:s15], [sflag:$0x1] =	stream.indirect_vreg.gather @!p0 [hbm4b:s5+s14], $0x80, v4, vm1, $0xb8;
	[tilespmem:$0x10100] =	vst v63  }
0xa2: {  	v3 =	vadd.s32 @!p0 v6, v3;
	s15 =	simm.s32 @!p0 $0x5100  }
0xa3: {  	[tilespmem:s15], [sflag:$0x1] =	stream.indirect_vreg.gather @!p0 [hbm4b:s6+s14], $0x80, v4, vm1, $0xb8;
	[tilespmem:$0x10100] =	vst v63  }
0xa4: {  	s15 =	simm.s32 @!p0 $0x5900  }
0xa5: {  	[tilespmem:s15], [sflag:$0x1] =	stream.indirect_vreg.gather @!p0 [hbm4b:s7+s14], $0x80, v4, vm1, $0xb8;
	[tilespmem:$0x10100] =	vst v63  }
0xa6: {  	s15 =	simm.s32 @!p0 $0x6100  }
0xa7: {  	[tilespmem:s15], [sflag:$0x1] =	stream.indirect_vreg.gather @!p0 [hbm4b:s3+s14], $0x80, v3, vm1, $0xb8;
	[tilespmem:$0x10100] =	vst v63  }
0xa8: {  	s15 =	simm.s32 @!p0 $0x6900  }
0xa9: {  	[tilespmem:s15], [sflag:$0x1] =	stream.indirect_vreg.gather @!p0 [hbm4b:s5+s14], $0x80, v3, vm1, $0xb8;
	[tilespmem:$0x10100] =	vst v63  }
0xaa: {  	s15 =	simm.s32 @!p0 $0x7100  }
0xab: {  	[tilespmem:s15], [sflag:$0x1] =	stream.indirect_vreg.gather @!p0 [hbm4b:s6+s14], $0x80, v3, vm1, $0xb8;
	[tilespmem:$0x10100] =	vst v63  }
0xac: {  	s12 =	sadd.s32 $0x2000, s12;
	s15 =	simm.s32 @!p0 $0x7900  }
0xad: {  	[tilespmem:s15], [sflag:$0x1] =	stream.indirect_vreg.gather @!p0 [hbm4b:s7+s14], $0x80, v3, vm1, $0xb8;
	[tilespmem:$0x10100] =	vst v63  }
0xae: {  	p0 =	sne.s32 s12, $0x8000  }
.Ltmp0:
0xaf: {  	_ = 	snop;
	(pc) =	sbr.rel @p0 .LBB2_2-.Ltmp0, $3  }
0xb0: {  	_ =	sdelay $0x1  }
0xb1: {  	s13 =	sadd.s32 $0x1000, s13;
	s11 =	sadd.s32 $0x40, s11  }
0xb2: {  	[hbm4b:s13+s2] =	stream.linear.scatter [tilespmem:s28], [sflag:$0x4], $0x8000, $0x38;
	[tilespmem:$0x10100] =	vst v63  }
0xb3: {  	s1 =	sadd.s32 $0x1, s1  }
0xb4: {  	p0 =	sne.s32 s1, s8  }
.Ltmp1:
0xb5: {  	_ = 	snop;
	(pc) =	sbr.rel @p0 .LBB2_1-.Ltmp1, $4  }
0xb6: {  	_ = 	snop  }
0xb7: {  	_ =	swait.ge [sflag:s0], $0x8000  }
0xb8: {  	[sflag:s0] =	ssyncset.done $0x0  }
0xb9: {  	[sflag:s0] =	ssyncadd.s32 $0xFFFF8000  }
0xba: {  	_ =	sfence.sel $0x180000  }
0xbb: {  	[bflag:$0x0] =	sbarrier.arrive $0xFFFF  }
0xbc: {  	_ =	strace $0x90000047  }
0xbd: {  	s0 =	stileid.u32;
	[bflag:$0x2] =	sbarrier.arrive $0xFFFF  }
0xbe: {  	p0 =	sne.s32 s0, $0x0;
	s0 =	rddreg [dreg:$0x2]  }
0xbf: {  	s0 =	sadd.s32 @!p0 $0x100000, s0  }
0xc0: {  	[sflag:s0] =	ssyncadd.tile.s32 @!p0 $0x1;
	_ =	shalt  }
.Lfunc_end2:
_tile_overlayer_lowered:
.L_overlay_start_2:
0xc1: {  	(tag) =	ssettag $0x2  }
0xc2: {  	s0 =	rddreg [dreg:$0x0];
	s2 =	stileid.u32  }
0xc3: {  	s1 =	rddreg [dreg:$0x1];
	p0 =	sne.s32 s2, $0x0  }
0xc4: {  	s3 =	rddreg [dreg:$0x2];
	[bflag:$0x3] =	sbarrier.arrive $0xFFFF;
	s2 =	simm.s32 @!p0 $0x1C05  }
0xc5: {  	[timem:s3], [sflag:s2] =	dma.local @!p0 [hbm:s0], s1  }
0xc6: {  	s0 =	simm.s32 @!p0 $0x5  }
0xc7: {  	_ =	swait.ge @!p0 [sflag:s0], s1  }
0xc8: {  	s1 =	ssub.s32 @!p0 $0x0, s1;
	[sflag:s0] =	ssyncset.done @!p0 $0x0  }
0xc9: {  	[sflag:s0] =	ssyncadd.s32 @!p0 s1  }
0xca: {  	[bflag:$0x3] =	sbarrier.arrive $0xFFFF  }
0xcb: {  	_ =	shalt  }

</sc_bundles>
